<compile_context>
chip_gen: v7x
topology: tpu7x:2x2x1
jax: 0.10.2.dev20260603
libtpu: 0.0.44.dev20260713+nightly
codegen_flags: <defaults>
</compile_context>

<pallas_src>
import numpy as np
import jax
import jax.numpy as jnp
from jax.experimental import pallas as pl
from jax.experimental.pallas import tpu as pltpu

EMBEDDING_DIM = 256
NUM_EMBEDDINGS = 1024
NUM_LEVELS = 8
KL_WEIGHT = 1.0 / 10.0
N_TOKENS = 2048
CHUNK = 256
N_CHUNKS = N_TOKENS // CHUNK

_PRIOR = np.float32(1.0 / NUM_EMBEDDINGS)
_LOG_PRIOR = np.float32(np.log(np.float64(1.0 / NUM_EMBEDDINGS)))
_INV7 = np.float32(1.0 / 7.0)
_INV_CHUNK = np.float32(1.0 / CHUNK)


def _hrq_kernel(z_ref, w_ref, probs_ref, codes_ref, q_ref, loss_ref,
                s_prev, s_delta, s_half, acckl, accnl, prevnorm, qacc):
    h = pl.program_id(0)
    t = pl.program_id(1)

    @pl.when(jnp.logical_and(h == 0, t == 0))
    def _init():
        s_prev[...] = jnp.zeros_like(s_prev)
        s_delta[...] = jnp.zeros_like(s_delta)
        s_half[...] = jnp.zeros_like(s_half)

    def _tree(s8):
        r4 = s8[0:4, :] + s8[4:8, :]
        r2 = r4[0:2, :] + r4[2:4, :]
        return r2[0:1, :] + r2[1:2, :]

    @pl.when(jnp.logical_and(h > 0, t == 0))
    def _roll_level():
        s_prev[...] = s_prev[...] + (s_half[...] + _tree(s_delta[...]))
        s_half[...] = jnp.zeros_like(s_half)
        s_delta[...] = jnp.zeros_like(s_delta)

    @pl.when(t == N_CHUNKS // 2)
    def _half_fold():
        s_half[...] = _tree(s_delta[...])
        s_delta[...] = jnp.zeros_like(s_delta)

    w = w_ref[0]
    flatc = z_ref[...]
    resid = flatc - s_prev[...]

    rn = jnp.sum(resid * resid, axis=1, keepdims=True)
    wn = jnp.sum(w * w, axis=1)
    m = jax.lax.dot_general(resid, w, (((1,), (1,)), ((), ())),
                            preferred_element_type=jnp.float32)
    d = -1.0 * ((rn + wn[None, :]) - 2.0 * m)

    idx = jnp.argmax(d, axis=1)
    codes_ref[0, 0, :] = idx.astype(jnp.int32)
    probs = (jax.lax.broadcasted_iota(jnp.int32, (CHUNK, NUM_EMBEDDINGS), 1)
             == idx[:, None]).astype(jnp.float32)
    probs_ref[...] = probs

    xmax = jnp.max(d, axis=1, keepdims=True)
    sh = d - xmax
    lse = jnp.log(jnp.sum(jnp.exp(sh), axis=1, keepdims=True))
    logsm = sh - lse
    kl = jnp.sum(_PRIOR * (_LOG_PRIOR - logsm), axis=1, keepdims=True)

    rows = pl.ds(t * CHUNK, CHUNK)
    prev_kl = jnp.where(h == 0, 0.0, acckl[rows, :])
    acckl[rows, :] = prev_kl + kl * KL_WEIGHT

    this_q = jax.lax.dot_general(probs, w, (((1,), (0,)), ((), ())),
                                 preferred_element_type=jnp.float32)
    prev_q = jnp.where(h == 0, 0.0, qacc[rows, :])
    qnew = prev_q + this_q
    qacc[rows, :] = qnew
    q_ref[...] = qnew

    acc8 = s_delta[...]
    for i in range(CHUNK // 8):
        acc8 = acc8 + this_q[i * 8:(i + 1) * 8, :]
    s_delta[...] = acc8

    nq = jnp.sqrt(jnp.sum(this_q * this_q, axis=1, keepdims=True))
    ratio = nq / prevnorm[rows, :]
    nl = (jnp.maximum(ratio, 1.0) - 1.0) ** 2
    prev_nl = jnp.where(h <= 1, 0.0, accnl[rows, :])
    accnl[rows, :] = jnp.where(h == 0, 0.0, prev_nl + nl)
    prevnorm[rows, :] = nq

    @pl.when(h == NUM_LEVELS - 1)
    def _finish():
        loss_tok = acckl[rows, :] + accnl[rows, :] * _INV7
        lossb = jnp.sum(loss_tok) * _INV_CHUNK
        loss_ref[pl.ds(t, 1), :] = jnp.full((1, 128), lossb, jnp.float32)


def _run(flat, W):
    grid = (NUM_LEVELS, N_CHUNKS)
    kernel_fn = pl.pallas_call(
        _hrq_kernel,
        grid=grid,
        in_specs=[
            pl.BlockSpec((CHUNK, EMBEDDING_DIM), lambda h, t: (t, 0)),
            pl.BlockSpec((1, NUM_EMBEDDINGS, EMBEDDING_DIM),
                         lambda h, t: (h, 0, 0)),
        ],
        out_specs=[
            pl.BlockSpec((CHUNK, NUM_EMBEDDINGS), lambda h, t: (t, h)),
            pl.BlockSpec((1, 1, CHUNK), lambda h, t: (h, 0, t)),
            pl.BlockSpec((CHUNK, EMBEDDING_DIM), lambda h, t: (t, 0)),
            pl.BlockSpec((NUM_LEVELS, 128), lambda h, t: (0, 0)),
        ],
        out_shape=[
            jax.ShapeDtypeStruct((N_TOKENS, NUM_LEVELS * NUM_EMBEDDINGS),
                                 jnp.float32),
            jax.ShapeDtypeStruct((NUM_LEVELS, 1, N_TOKENS), jnp.int32),
            jax.ShapeDtypeStruct((N_TOKENS, EMBEDDING_DIM), jnp.float32),
            jax.ShapeDtypeStruct((NUM_LEVELS, 128), jnp.float32),
        ],
        scratch_shapes=[
            pltpu.VMEM((1, EMBEDDING_DIM), jnp.float32),
            pltpu.VMEM((8, EMBEDDING_DIM), jnp.float32),
            pltpu.VMEM((1, EMBEDDING_DIM), jnp.float32),
            pltpu.VMEM((N_TOKENS, 1), jnp.float32),
            pltpu.VMEM((N_TOKENS, 1), jnp.float32),
            pltpu.VMEM((N_TOKENS, 1), jnp.float32),
            pltpu.VMEM((N_TOKENS, EMBEDDING_DIM), jnp.float32),
        ],
    )
    return kernel_fn(flat, W)


def kernel(z, W, epoch):
    input_shape = z.shape
    flat = z.reshape(-1, EMBEDDING_DIM)
    probs_flat, codes_lt, q_flat, loss_pad = _run(flat, W)

    all_probs = probs_flat.reshape(N_TOKENS, NUM_LEVELS, NUM_EMBEDDINGS)
    codes = jnp.transpose(codes_lt[:, 0, :], (1, 0))
    quantized_indices = codes.reshape(*input_shape[:-1], NUM_LEVELS)
    q = q_flat.reshape(input_shape)
    q = jnp.transpose(q, (0, 3, 1, 2))
    loss = loss_pad[:, 0]
    return q, quantized_indices, loss, all_probs

# --- scband reference (transcript-rebuilt; emitter-appended) ---
"""Pipeline reference for scband-hierarchical-residual-quantizer-26448408609285 (READ-ONLY COPY).

The authoritative reference and input builder live on the scoring server;
editing this copy changes nothing except your own understanding.
"""

import jax, jax.numpy as jnp
import numpy as np
from math import sqrt

EMBEDDING_DIM = 256
NUM_EMBEDDINGS = 1024
NUM_LEVELS = 8
INIT_SCALE = 1.0
INIT_DECAY = 0.5
KL_WEIGHT = 0.1
NORM_LOSS_WEIGHT = 1.0
NORM_LOSS_SCALE = 1.0

def _make_codebooks(key):
    ws = []
    for hix in range(NUM_LEVELS):
        s = INIT_SCALE * INIT_DECAY ** hix / sqrt(EMBEDDING_DIM)
        w = jax.random.uniform(jax.random.fold_in(key, hix), (NUM_EMBEDDINGS, EMBEDDING_DIM), minval=-s, maxval=s, dtype=jnp.float32)
        w = w / jnp.linalg.norm(w, axis=1, keepdims=True) * (INIT_SCALE * INIT_DECAY ** hix)
        ws.append(w)
    return jnp.stack(ws, axis=0)

def setup_inputs(seed: int = 0):
    key = jax.random.key(seed)
    kz, kw = jax.random.split(key)
    z = jax.random.normal(kz, (8, 16, 16, EMBEDDING_DIM), dtype=jnp.float32)
    W = _make_codebooks(kw)
    return {"z": z, "W": W, "epoch": 0}

def _forward(z, W):
    # eval-mode path of HierarchicalResidualQuantizer.forward (argmax / one-hot,
    # no gumbel noise, no depth drop), faithful to the original including the
    # residual computation z - sum(cat(quantized, dim=0), dim=0) which reduces
    # over the token axis as in the source code.
    input_shape = z.shape
    flat = z.reshape(-1, EMBEDDING_DIM)
    N = flat.shape[0]
    loss = jnp.zeros((N,), dtype=jnp.float32)
    resid = flat
    quantized = []
    codes = []
    all_probs = []
    for hix in range(NUM_LEVELS):
        if hix > 0:
            resid = flat - jnp.sum(jnp.concatenate(quantized, axis=0), axis=0)
        w = W[hix]
        distances = -1.0 * ((resid.reshape(-1, EMBEDDING_DIM) ** 2).sum(axis=-1, keepdims=True) + (w ** 2).sum(axis=-1) - 2.0 * (resid.reshape(-1, EMBEDDING_DIM) @ w.T))
        indices = jnp.argmax(distances, axis=-1)
        probs = jax.nn.one_hot(indices, NUM_EMBEDDINGS, dtype=jnp.float32)
        prior = jnp.ones_like(distances) / float(NUM_EMBEDDINGS)
        kl = (prior * (jnp.log(prior) - jax.nn.log_softmax(distances, axis=-1))).sum(axis=-1)
        loss = loss + kl * KL_WEIGHT
        this_q = probs @ w
        quantized.append(this_q[:, None, :])
        codes.append(indices[:, None])
        all_probs.append(probs[:, None, :])
    quantized_all = jnp.concatenate(quantized, axis=-2)
    quantized_indices = jnp.concatenate(codes, axis=-1)
    all_probs = jnp.concatenate(all_probs, axis=-2)
    upper = jnp.linalg.norm(quantized_all[:, :-1, :], axis=-1)
    lower = jnp.linalg.norm(quantized_all[:, 1:, :], axis=-1)
    norm_loss = (jnp.maximum(lower / upper * NORM_LOSS_SCALE, jnp.ones_like(lower)) - 1.0) ** 2
    loss = loss + norm_loss.mean(axis=1) * NORM_LOSS_WEIGHT
    q = quantized_all.sum(axis=-2).reshape(input_shape)
    q = jnp.transpose(q, (0, 3, 1, 2))
    loss = loss.reshape(input_shape[0], -1).mean(axis=1)
    quantized_indices = quantized_indices.reshape(*input_shape[:-1], NUM_LEVELS)
    return q, quantized_indices, loss, all_probs

def reference(z, W, epoch):
    return _forward(z, W)

if __name__ == "__main__":
    import jax
    _d = setup_inputs()
    print(jax.jit(kernel)(*tuple(_d.values())))

</pallas_src>

<mosaic_0001>
module attributes {stable_mosaic.version = 14 : i64} {
  func.func @_hrq_kernel(%arg0: i32, %arg1: i32, %arg2: memref<256x256xf32, #tpu.memory_space<vmem>>, %arg3: memref<1x1024x256xf32, #tpu.memory_space<vmem>>, %arg4: memref<256x1024xf32, #tpu.memory_space<vmem>>, %arg5: memref<1x1x256xi32, #tpu.memory_space<vmem>>, %arg6: memref<256x256xf32, #tpu.memory_space<vmem>>, %arg7: memref<8x128xf32, #tpu.memory_space<vmem>>, %arg8: memref<1x256xf32, #tpu.memory_space<vmem>>, %arg9: memref<8x256xf32, #tpu.memory_space<vmem>>, %arg10: memref<1x256xf32, #tpu.memory_space<vmem>>, %arg11: memref<2048x1xf32, #tpu.memory_space<vmem>>, %arg12: memref<2048x1xf32, #tpu.memory_space<vmem>>, %arg13: memref<2048x1xf32, #tpu.memory_space<vmem>>, %arg14: memref<2048x256xf32, #tpu.memory_space<vmem>>) attributes {dimension_semantics = [#tpu.dimension_semantics<arbitrary>, #tpu.dimension_semantics<arbitrary>], iteration_bounds = array<i64: 8, 8>, scalar_prefetch = 0 : i64, scratch_operands = 7 : i64, tpu.core_type = #tpu.core_type<tc>, window_params = [{transform_indices = @transform_0, window_bounds = array<i64: 256, 256>}, {transform_indices = @transform_1, window_bounds = array<i64: 1, 1024, 256>}, {transform_indices = @transform_2, window_bounds = array<i64: 256, 1024>}, {transform_indices = @transform_3, window_bounds = array<i64: 1, 1, 256>}, {transform_indices = @transform_4, window_bounds = array<i64: 256, 256>}, {pipeline_mode = #tpu.pipeline_mode<synchronous>, transform_indices = @transform_5, window_bounds = array<i64: 8, 128>}]} {
    %eq3A = arith.constant 0 : i32
    %eq3A_0 = arith.cmpi eq, %arg0, %eq3A : i32
    %eq3A_1 = arith.constant 0 : i32
    %eq3A_2 = arith.cmpi eq, %arg1, %eq3A_1 : i32
    %and3A = arith.andi %eq3A_0, %eq3A_2 : i1
    %convert_element_type3A = arith.extui %and3A : i1 to i32
    %cond3A = arith.constant 0 : i32
    %cond3A_3 = arith.cmpi ne, %convert_element_type3A, %cond3A : i32
    scf.if %cond3A_3 {
      %broadcast_in_dim3A_210 = arith.constant 0.000000e+00 : f32
      %broadcast_in_dim3A_211 = vector.broadcast %broadcast_in_dim3A_210 : f32 to vector<1x256xf32>
      %swap3A_212 = arith.constant 0 : index
      %swap3A_213 = arith.constant 0 : index
      %swap3A_214 = vector.load %arg8[%swap3A_212, %swap3A_213] : memref<1x256xf32, #tpu.memory_space<vmem>>, vector<1x256xf32>
      tpu.vector_store %arg8[%swap3A_212, %swap3A_213], %broadcast_in_dim3A_211 {strides = array<i32>} : memref<1x256xf32, #tpu.memory_space<vmem>>, vector<1x256xf32>,
      %broadcast_in_dim3A_215 = arith.constant 0.000000e+00 : f32
      %broadcast_in_dim3A_216 = vector.broadcast %broadcast_in_dim3A_215 : f32 to vector<8x256xf32>
      %swap3A_217 = arith.constant 0 : index
      %swap3A_218 = arith.constant 0 : index
      %swap3A_219 = vector.load %arg9[%swap3A_217, %swap3A_218] : memref<8x256xf32, #tpu.memory_space<vmem>>, vector<8x256xf32>
      tpu.vector_store %arg9[%swap3A_217, %swap3A_218], %broadcast_in_dim3A_216 {strides = array<i32>} : memref<8x256xf32, #tpu.memory_space<vmem>>, vector<8x256xf32>,
      %broadcast_in_dim3A_220 = arith.constant 0.000000e+00 : f32
      %broadcast_in_dim3A_221 = vector.broadcast %broadcast_in_dim3A_220 : f32 to vector<1x256xf32>
      %swap3A_222 = arith.constant 0 : index
      %swap3A_223 = arith.constant 0 : index
      %swap3A_224 = vector.load %arg10[%swap3A_222, %swap3A_223] : memref<1x256xf32, #tpu.memory_space<vmem>>, vector<1x256xf32>
      tpu.vector_store %arg10[%swap3A_222, %swap3A_223], %broadcast_in_dim3A_221 {strides = array<i32>} : memref<1x256xf32, #tpu.memory_space<vmem>>, vector<1x256xf32>,
    } else {
    }
    %gt3A = arith.constant 0 : i32
    %gt3A_4 = arith.cmpi sgt, %arg0, %gt3A : i32
    %eq3A_5 = arith.constant 0 : i32
    %eq3A_6 = arith.cmpi eq, %arg1, %eq3A_5 : i32
    %and3A_7 = arith.andi %gt3A_4, %eq3A_6 : i1
    %convert_element_type3A_8 = arith.extui %and3A_7 : i1 to i32
    %cond3A_9 = arith.constant 0 : i32
    %cond3A_10 = arith.cmpi ne, %convert_element_type3A_8, %cond3A_9 : i32
    scf.if %cond3A_10 {
      %get3A_210 = arith.constant 0 : index
      %get3A_211 = arith.constant 0 : index
      %get3A_212 = vector.load %arg8[%get3A_210, %get3A_211] : memref<1x256xf32, #tpu.memory_space<vmem>>, vector<1x256xf32>
      %get3A_213 = arith.constant 0 : index
      %get3A_214 = arith.constant 0 : index
      %get3A_215 = vector.load %arg10[%get3A_213, %get3A_214] : memref<1x256xf32, #tpu.memory_space<vmem>>, vector<1x256xf32>
      %get3A_216 = arith.constant 0 : index
      %get3A_217 = arith.constant 0 : index
      %get3A_218 = vector.load %arg9[%get3A_216, %get3A_217] : memref<8x256xf32, #tpu.memory_space<vmem>>, vector<8x256xf32>
      %slice3A_219 = vector.extract_strided_slice %get3A_218 {offsets = [0, 0], sizes = [4, 256], strides = [1, 1]} : vector<8x256xf32> to vector<4x256xf32>
      %slice3A_220 = vector.extract_strided_slice %get3A_218 {offsets = [4, 0], sizes = [4, 256], strides = [1, 1]} : vector<8x256xf32> to vector<4x256xf32>
      %add3A_221 = arith.addf %slice3A_219, %slice3A_220 : vector<4x256xf32>
      %slice3A_222 = vector.extract_strided_slice %add3A_221 {offsets = [0, 0], sizes = [2, 256], strides = [1, 1]} : vector<4x256xf32> to vector<2x256xf32>
      %slice3A_223 = vector.extract_strided_slice %add3A_221 {offsets = [2, 0], sizes = [2, 256], strides = [1, 1]} : vector<4x256xf32> to vector<2x256xf32>
      %add3A_224 = arith.addf %slice3A_222, %slice3A_223 : vector<2x256xf32>
      %slice3A_225 = vector.extract_strided_slice %add3A_224 {offsets = [0, 0], sizes = [1, 256], strides = [1, 1]} : vector<2x256xf32> to vector<1x256xf32>
      %slice3A_226 = vector.extract_strided_slice %add3A_224 {offsets = [1, 0], sizes = [1, 256], strides = [1, 1]} : vector<2x256xf32> to vector<1x256xf32>
      %add3A_227 = arith.addf %slice3A_225, %slice3A_226 : vector<1x256xf32>
      %add3A_228 = arith.addf %get3A_215, %add3A_227 : vector<1x256xf32>
      %add3A_229 = arith.addf %get3A_212, %add3A_228 : vector<1x256xf32>
      %swap3A_230 = arith.constant 0 : index
      %swap3A_231 = arith.constant 0 : index
      %swap3A_232 = vector.load %arg8[%swap3A_230, %swap3A_231] : memref<1x256xf32, #tpu.memory_space<vmem>>, vector<1x256xf32>
      tpu.vector_store %arg8[%swap3A_230, %swap3A_231], %add3A_229 {strides = array<i32>} : memref<1x256xf32, #tpu.memory_space<vmem>>, vector<1x256xf32>,
      %broadcast_in_dim3A_233 = arith.constant 0.000000e+00 : f32
      %broadcast_in_dim3A_234 = vector.broadcast %broadcast_in_dim3A_233 : f32 to vector<1x256xf32>
      %swap3A_235 = arith.constant 0 : index
      %swap3A_236 = arith.constant 0 : index
      %swap3A_237 = vector.load %arg10[%swap3A_235, %swap3A_236] : memref<1x256xf32, #tpu.memory_space<vmem>>, vector<1x256xf32>
      tpu.vector_store %arg10[%swap3A_235, %swap3A_236], %broadcast_in_dim3A_234 {strides = array<i32>} : memref<1x256xf32, #tpu.memory_space<vmem>>, vector<1x256xf32>,
      %broadcast_in_dim3A_238 = arith.constant 0.000000e+00 : f32
      %broadcast_in_dim3A_239 = vector.broadcast %broadcast_in_dim3A_238 : f32 to vector<8x256xf32>
      %swap3A_240 = arith.constant 0 : index
      %swap3A_241 = arith.constant 0 : index
      %swap3A_242 = vector.load %arg9[%swap3A_240, %swap3A_241] : memref<8x256xf32, #tpu.memory_space<vmem>>, vector<8x256xf32>
      tpu.vector_store %arg9[%swap3A_240, %swap3A_241], %broadcast_in_dim3A_239 {strides = array<i32>} : memref<8x256xf32, #tpu.memory_space<vmem>>, vector<8x256xf32>,
    } else {
    }
    %eq3A_11 = arith.constant 4 : i32
    %eq3A_12 = arith.cmpi eq, %arg1, %eq3A_11 : i32
    %convert_element_type3A_13 = arith.extui %eq3A_12 : i1 to i32
    %cond3A_14 = arith.constant 0 : i32
    %cond3A_15 = arith.cmpi ne, %convert_element_type3A_13, %cond3A_14 : i32
    scf.if %cond3A_15 {
      %get3A_210 = arith.constant 0 : index
      %get3A_211 = arith.constant 0 : index
      %get3A_212 = vector.load %arg9[%get3A_210, %get3A_211] : memref<8x256xf32, #tpu.memory_space<vmem>>, vector<8x256xf32>
      %slice3A_213 = vector.extract_strided_slice %get3A_212 {offsets = [0, 0], sizes = [4, 256], strides = [1, 1]} : vector<8x256xf32> to vector<4x256xf32>
      %slice3A_214 = vector.extract_strided_slice %get3A_212 {offsets = [4, 0], sizes = [4, 256], strides = [1, 1]} : vector<8x256xf32> to vector<4x256xf32>
      %add3A_215 = arith.addf %slice3A_213, %slice3A_214 : vector<4x256xf32>
      %slice3A_216 = vector.extract_strided_slice %add3A_215 {offsets = [0, 0], sizes = [2, 256], strides = [1, 1]} : vector<4x256xf32> to vector<2x256xf32>
      %slice3A_217 = vector.extract_strided_slice %add3A_215 {offsets = [2, 0], sizes = [2, 256], strides = [1, 1]} : vector<4x256xf32> to vector<2x256xf32>
      %add3A_218 = arith.addf %slice3A_216, %slice3A_217 : vector<2x256xf32>
      %slice3A_219 = vector.extract_strided_slice %add3A_218 {offsets = [0, 0], sizes = [1, 256], strides = [1, 1]} : vector<2x256xf32> to vector<1x256xf32>
      %slice3A_220 = vector.extract_strided_slice %add3A_218 {offsets = [1, 0], sizes = [1, 256], strides = [1, 1]} : vector<2x256xf32> to vector<1x256xf32>
      %add3A_221 = arith.addf %slice3A_219, %slice3A_220 : vector<1x256xf32>
      %swap3A_222 = arith.constant 0 : index
      %swap3A_223 = arith.constant 0 : index
      %swap3A_224 = vector.load %arg10[%swap3A_222, %swap3A_223] : memref<1x256xf32, #tpu.memory_space<vmem>>, vector<1x256xf32>
      tpu.vector_store %arg10[%swap3A_222, %swap3A_223], %add3A_221 {strides = array<i32>} : memref<1x256xf32, #tpu.memory_space<vmem>>, vector<1x256xf32>,
      %broadcast_in_dim3A_225 = arith.constant 0.000000e+00 : f32
      %broadcast_in_dim3A_226 = vector.broadcast %broadcast_in_dim3A_225 : f32 to vector<8x256xf32>
      %swap3A_227 = arith.constant 0 : index
      %swap3A_228 = arith.constant 0 : index
      %swap3A_229 = vector.load %arg9[%swap3A_227, %swap3A_228] : memref<8x256xf32, #tpu.memory_space<vmem>>, vector<8x256xf32>
      tpu.vector_store %arg9[%swap3A_227, %swap3A_228], %broadcast_in_dim3A_226 {strides = array<i32>} : memref<8x256xf32, #tpu.memory_space<vmem>>, vector<8x256xf32>,
    } else {
    }
    %get3A = arith.constant 0 : index
    %get3A_16 = arith.constant 0 : index
    %get3A_17 = arith.constant 0 : index
    %get3A_18 = vector.load %arg3[%get3A, %get3A_16, %get3A_17] : memref<1x1024x256xf32, #tpu.memory_space<vmem>>, vector<1x1024x256xf32>
    %get3A_19 = vector.shape_cast %get3A_18 : vector<1x1024x256xf32> to vector<1024x256xf32>
    %get3A_20 = arith.constant 0 : index
    %get3A_21 = arith.constant 0 : index
    %get3A_22 = vector.load %arg2[%get3A_20, %get3A_21] : memref<256x256xf32, #tpu.memory_space<vmem>>, vector<256x256xf32>
    %get3A_23 = arith.constant 0 : index
    %get3A_24 = arith.constant 0 : index
    %get3A_25 = vector.load %arg8[%get3A_23, %get3A_24] : memref<1x256xf32, #tpu.memory_space<vmem>>, vector<1x256xf32>
    %sub3A = vector.broadcast %get3A_25 : vector<1x256xf32> to vector<256x256xf32>
    %sub3A_26 = arith.subf %get3A_22, %sub3A : vector<256x256xf32>
    %mul3A = arith.mulf %sub3A_26, %sub3A_26 : vector<256x256xf32>
    %reduce_sum3A = arith.constant dense<0.000000e+00> : vector<256xf32>
    %reduce_sum3A_27 = vector.multi_reduction <add>, %mul3A, %reduce_sum3A [1] : vector<256x256xf32> to vector<256xf32>
    %broadcast_in_dim3A = vector.shape_cast %reduce_sum3A_27 : vector<256xf32> to vector<256x1xf32>
    %mul3A_28 = arith.mulf %get3A_19, %get3A_19 : vector<1024x256xf32>
    %reduce_sum3A_29 = arith.constant dense<0.000000e+00> : vector<1024xf32>
    %reduce_sum3A_30 = vector.multi_reduction <add>, %mul3A_28, %reduce_sum3A_29 [1] : vector<1024x256xf32> to vector<1024xf32>
    %dot_general3A = arith.constant dense<0.000000e+00> : vector<256x1024xf32>
    %dot_general3A_31 = tpu.matmul %sub3A_26, %get3A_19, %dot_general3A {dimension_numbers = #tpu.dot_dimension_numbers<[1], [1], [0], [0], [0, 0, 1, 0], [], []>, transpose_lhs_hint = false} : vector<256x256xf32>, vector<1024x256xf32>, vector<256x1024xf32> -> vector<256x1024xf32>
    %broadcast_in_dim3A_32 = vector.shape_cast %reduce_sum3A_30 : vector<1024xf32> to vector<1x1024xf32>
    %add3A = vector.broadcast %broadcast_in_dim3A : vector<256x1xf32> to vector<256x1024xf32>
    %add3A_33 = vector.broadcast %broadcast_in_dim3A_32 : vector<1x1024xf32> to vector<256x1024xf32>
    %add3A_34 = arith.addf %add3A, %add3A_33 : vector<256x1024xf32>
    %mul3A_35 = arith.constant 2.000000e+00 : f32
    %mul3A_36 = vector.broadcast %mul3A_35 : f32 to vector<256x1024xf32>
    %mul3A_37 = arith.mulf %mul3A_36, %dot_general3A_31 : vector<256x1024xf32>
    %sub3A_38 = arith.subf %add3A_34, %mul3A_37 : vector<256x1024xf32>
    %mul3A_39 = arith.constant -1.000000e+00 : f32
    %mul3A_40 = vector.broadcast %mul3A_39 : f32 to vector<256x1024xf32>
    %mul3A_41 = arith.mulf %mul3A_40, %sub3A_38 : vector<256x1024xf32>
    %argmax3A = tpu.reduce_index %mul3A_41 {axis = 1 : i32, kind = #tpu.reduction_kind<arg_max>} : vector<256x1024xf32> -> vector<256xi32>
    %swap3A = arith.constant 0 : index
    %swap3A_42 = arith.constant 0 : index
    %swap3A_43 = arith.constant 0 : index
    %swap3A_44 = vector.load %arg5[%swap3A, %swap3A_42, %swap3A_43] : memref<1x1x256xi32, #tpu.memory_space<vmem>>, vector<1x1x256xi32>
    %swap3A_45 = vector.shape_cast %swap3A_44 : vector<1x1x256xi32> to vector<256xi32>
    %swap3A_46 = vector.shape_cast %argmax3A : vector<256xi32> to vector<1x1x256xi32>
    tpu.vector_store %arg5[%swap3A, %swap3A_42, %swap3A_43], %swap3A_46 {strides = array<i32>} : memref<1x1x256xi32, #tpu.memory_space<vmem>>, vector<1x1x256xi32>,
    %iota3A = tpu.iota {dimensions = array<i32: 1>} : vector<256x1024xi32>
    %broadcast_in_dim3A_47 = vector.shape_cast %argmax3A : vector<256xi32> to vector<256x1xi32>
    %eq3A_48 = vector.broadcast %broadcast_in_dim3A_47 : vector<256x1xi32> to vector<256x1024xi32>
    %eq3A_49 = arith.cmpi eq, %iota3A, %eq3A_48 : vector<256x1024xi32>
    %convert_element_type3A_50 = arith.extui %eq3A_49 : vector<256x1024xi1> to vector<256x1024xi32>
    %convert_element_type3A_51 = arith.sitofp %convert_element_type3A_50 : vector<256x1024xi32> to vector<256x1024xf32>
    %swap3A_52 = arith.constant 0 : index
    %swap3A_53 = arith.constant 0 : index
    %swap3A_54 = vector.load %arg4[%swap3A_52, %swap3A_53] : memref<256x1024xf32, #tpu.memory_space<vmem>>, vector<256x1024xf32>
    tpu.vector_store %arg4[%swap3A_52, %swap3A_53], %convert_element_type3A_51 {strides = array<i32>} : memref<256x1024xf32, #tpu.memory_space<vmem>>, vector<256x1024xf32>,
    %reduce_max3A = arith.constant dense<0xFF800000> : vector<256xf32>
    %reduce_max3A_55 = vector.multi_reduction <maximumf>, %mul3A_41, %reduce_max3A [1] : vector<256x1024xf32> to vector<256xf32>
    %broadcast_in_dim3A_56 = vector.shape_cast %reduce_max3A_55 : vector<256xf32> to vector<256x1xf32>
    %sub3A_57 = vector.broadcast %broadcast_in_dim3A_56 : vector<256x1xf32> to vector<256x1024xf32>
    %sub3A_58 = arith.subf %mul3A_41, %sub3A_57 : vector<256x1024xf32>
    %exp3A = math.exp %sub3A_58 : vector<256x1024xf32>
    %reduce_sum3A_59 = arith.constant dense<0.000000e+00> : vector<256xf32>
    %reduce_sum3A_60 = vector.multi_reduction <add>, %exp3A, %reduce_sum3A_59 [1] : vector<256x1024xf32> to vector<256xf32>
    %broadcast_in_dim3A_61 = vector.shape_cast %reduce_sum3A_60 : vector<256xf32> to vector<256x1xf32>
    %log3A = math.log %broadcast_in_dim3A_61 : vector<256x1xf32>
    %sub3A_62 = vector.broadcast %log3A : vector<256x1xf32> to vector<256x1024xf32>
    %sub3A_63 = arith.subf %sub3A_58, %sub3A_62 : vector<256x1024xf32>
    %sub3A_64 = arith.constant -6.93147182 : f32
    %sub3A_65 = vector.broadcast %sub3A_64 : f32 to vector<256x1024xf32>
    %sub3A_66 = arith.subf %sub3A_65, %sub3A_63 : vector<256x1024xf32>
    %mul3A_67 = arith.constant 9.765625E-4 : f32
    %mul3A_68 = vector.broadcast %mul3A_67 : f32 to vector<256x1024xf32>
    %mul3A_69 = arith.mulf %mul3A_68, %sub3A_66 : vector<256x1024xf32>
    %reduce_sum3A_70 = arith.constant dense<0.000000e+00> : vector<256xf32>
    %reduce_sum3A_71 = vector.multi_reduction <add>, %mul3A_69, %reduce_sum3A_70 [1] : vector<256x1024xf32> to vector<256xf32>
    %broadcast_in_dim3A_72 = vector.shape_cast %reduce_sum3A_71 : vector<256xf32> to vector<256x1xf32>
    %mul3A_73 = arith.constant 256 : i32
    %mul3A_74 = arith.muli %arg1, %mul3A_73 : i32
    %eq3A_75 = arith.constant 0 : i32
    %eq3A_76 = arith.cmpi eq, %arg0, %eq3A_75 : i32
    %get3A_77 = arith.index_cast %mul3A_74 : i32 to index
    %get3A_78 = arith.constant 0 : index
    %get3A_79 = vector.load %arg11[%get3A_77, %get3A_78] : memref<2048x1xf32, #tpu.memory_space<vmem>>, vector<256x1xf32>
    %jit3A = arith.constant 0.000000e+00 : f32
    %broadcast_in_dim3A_80 = vector.broadcast %jit3A : f32 to vector<256x1xf32>
    %select_n3A = arith.select %eq3A_76, %broadcast_in_dim3A_80, %get3A_79 : vector<256x1xf32>
    %mul3A_81 = arith.constant 1.000000e-01 : f32
    %mul3A_82 = vector.broadcast %mul3A_81 : f32 to vector<256x1xf32>
    %mul3A_83 = arith.mulf %broadcast_in_dim3A_72, %mul3A_82 : vector<256x1xf32>
    %add3A_84 = arith.addf %select_n3A, %mul3A_83 : vector<256x1xf32>
    %swap3A_85 = arith.index_cast %mul3A_74 : i32 to index
    %swap3A_86 = arith.constant 0 : index
    %swap3A_87 = vector.load %arg11[%swap3A_85, %swap3A_86] : memref<2048x1xf32, #tpu.memory_space<vmem>>, vector<256x1xf32>
    tpu.vector_store %arg11[%swap3A_85, %swap3A_86], %add3A_84 {strides = array<i32>} : memref<2048x1xf32, #tpu.memory_space<vmem>>, vector<256x1xf32>,
    %dot_general3A_88 = arith.constant dense<0.000000e+00> : vector<256x256xf32>
    %dot_general3A_89 = tpu.matmul %convert_element_type3A_51, %get3A_19, %dot_general3A_88 {dimension_numbers = #tpu.dot_dimension_numbers<[1], [0], [0], [1], [0, 0, 1, 1], [], []>, transpose_lhs_hint = false} : vector<256x1024xf32>, vector<1024x256xf32>, vector<256x256xf32> -> vector<256x256xf32>
    %eq3A_90 = arith.constant 0 : i32
    %eq3A_91 = arith.cmpi eq, %arg0, %eq3A_90 : i32
    %get3A_92 = arith.index_cast %mul3A_74 : i32 to index
    %get3A_93 = arith.constant 0 : index
    %get3A_94 = vector.load %arg14[%get3A_92, %get3A_93] : memref<2048x256xf32, #tpu.memory_space<vmem>>, vector<256x256xf32>
    %jit3A_95 = arith.constant 0.000000e+00 : f32
    %broadcast_in_dim3A_96 = vector.broadcast %jit3A_95 : f32 to vector<256x256xf32>
    %select_n3A_97 = arith.select %eq3A_91, %broadcast_in_dim3A_96, %get3A_94 : vector<256x256xf32>
    %add3A_98 = arith.addf %select_n3A_97, %dot_general3A_89 : vector<256x256xf32>
    %swap3A_99 = arith.index_cast %mul3A_74 : i32 to index
    %swap3A_100 = arith.constant 0 : index
    %swap3A_101 = vector.load %arg14[%swap3A_99, %swap3A_100] : memref<2048x256xf32, #tpu.memory_space<vmem>>, vector<256x256xf32>
    tpu.vector_store %arg14[%swap3A_99, %swap3A_100], %add3A_98 {strides = array<i32>} : memref<2048x256xf32, #tpu.memory_space<vmem>>, vector<256x256xf32>,
    %swap3A_102 = arith.constant 0 : index
    %swap3A_103 = arith.constant 0 : index
    %swap3A_104 = vector.load %arg6[%swap3A_102, %swap3A_103] : memref<256x256xf32, #tpu.memory_space<vmem>>, vector<256x256xf32>
    tpu.vector_store %arg6[%swap3A_102, %swap3A_103], %add3A_98 {strides = array<i32>} : memref<256x256xf32, #tpu.memory_space<vmem>>, vector<256x256xf32>,
    %get3A_105 = arith.constant 0 : index
    %get3A_106 = arith.constant 0 : index
    %get3A_107 = vector.load %arg9[%get3A_105, %get3A_106] : memref<8x256xf32, #tpu.memory_space<vmem>>, vector<8x256xf32>
    %slice3A = vector.extract_strided_slice %dot_general3A_89 {offsets = [0, 0], sizes = [8, 256], strides = [1, 1]} : vector<256x256xf32> to vector<8x256xf32>
    %add3A_108 = arith.addf %get3A_107, %slice3A : vector<8x256xf32>
    %slice3A_109 = vector.extract_strided_slice %dot_general3A_89 {offsets = [8, 0], sizes = [8, 256], strides = [1, 1]} : vector<256x256xf32> to vector<8x256xf32>
    %add3A_110 = arith.addf %add3A_108, %slice3A_109 : vector<8x256xf32>
    %slice3A_111 = vector.extract_strided_slice %dot_general3A_89 {offsets = [16, 0], sizes = [8, 256], strides = [1, 1]} : vector<256x256xf32> to vector<8x256xf32>
    %add3A_112 = arith.addf %add3A_110, %slice3A_111 : vector<8x256xf32>
    %slice3A_113 = vector.extract_strided_slice %dot_general3A_89 {offsets = [24, 0], sizes = [8, 256], strides = [1, 1]} : vector<256x256xf32> to vector<8x256xf32>
    %add3A_114 = arith.addf %add3A_112, %slice3A_113 : vector<8x256xf32>
    %slice3A_115 = vector.extract_strided_slice %dot_general3A_89 {offsets = [32, 0], sizes = [8, 256], strides = [1, 1]} : vector<256x256xf32> to vector<8x256xf32>
    %add3A_116 = arith.addf %add3A_114, %slice3A_115 : vector<8x256xf32>
    %slice3A_117 = vector.extract_strided_slice %dot_general3A_89 {offsets = [40, 0], sizes = [8, 256], strides = [1, 1]} : vector<256x256xf32> to vector<8x256xf32>
    %add3A_118 = arith.addf %add3A_116, %slice3A_117 : vector<8x256xf32>
    %slice3A_119 = vector.extract_strided_slice %dot_general3A_89 {offsets = [48, 0], sizes = [8, 256], strides = [1, 1]} : vector<256x256xf32> to vector<8x256xf32>
    %add3A_120 = arith.addf %add3A_118, %slice3A_119 : vector<8x256xf32>
    %slice3A_121 = vector.extract_strided_slice %dot_general3A_89 {offsets = [56, 0], sizes = [8, 256], strides = [1, 1]} : vector<256x256xf32> to vector<8x256xf32>
    %add3A_122 = arith.addf %add3A_120, %slice3A_121 : vector<8x256xf32>
    %slice3A_123 = vector.extract_strided_slice %dot_general3A_89 {offsets = [64, 0], sizes = [8, 256], strides = [1, 1]} : vector<256x256xf32> to vector<8x256xf32>
    %add3A_124 = arith.addf %add3A_122, %slice3A_123 : vector<8x256xf32>
    %slice3A_125 = vector.extract_strided_slice %dot_general3A_89 {offsets = [72, 0], sizes = [8, 256], strides = [1, 1]} : vector<256x256xf32> to vector<8x256xf32>
    %add3A_126 = arith.addf %add3A_124, %slice3A_125 : vector<8x256xf32>
    %slice3A_127 = vector.extract_strided_slice %dot_general3A_89 {offsets = [80, 0], sizes = [8, 256], strides = [1, 1]} : vector<256x256xf32> to vector<8x256xf32>
    %add3A_128 = arith.addf %add3A_126, %slice3A_127 : vector<8x256xf32>
    %slice3A_129 = vector.extract_strided_slice %dot_general3A_89 {offsets = [88, 0], sizes = [8, 256], strides = [1, 1]} : vector<256x256xf32> to vector<8x256xf32>
    %add3A_130 = arith.addf %add3A_128, %slice3A_129 : vector<8x256xf32>
    %slice3A_131 = vector.extract_strided_slice %dot_general3A_89 {offsets = [96, 0], sizes = [8, 256], strides = [1, 1]} : vector<256x256xf32> to vector<8x256xf32>
    %add3A_132 = arith.addf %add3A_130, %slice3A_131 : vector<8x256xf32>
    %slice3A_133 = vector.extract_strided_slice %dot_general3A_89 {offsets = [104, 0], sizes = [8, 256], strides = [1, 1]} : vector<256x256xf32> to vector<8x256xf32>
    %add3A_134 = arith.addf %add3A_132, %slice3A_133 : vector<8x256xf32>
    %slice3A_135 = vector.extract_strided_slice %dot_general3A_89 {offsets = [112, 0], sizes = [8, 256], strides = [1, 1]} : vector<256x256xf32> to vector<8x256xf32>
    %add3A_136 = arith.addf %add3A_134, %slice3A_135 : vector<8x256xf32>
    %slice3A_137 = vector.extract_strided_slice %dot_general3A_89 {offsets = [120, 0], sizes = [8, 256], strides = [1, 1]} : vector<256x256xf32> to vector<8x256xf32>
    %add3A_138 = arith.addf %add3A_136, %slice3A_137 : vector<8x256xf32>
    %slice3A_139 = vector.extract_strided_slice %dot_general3A_89 {offsets = [128, 0], sizes = [8, 256], strides = [1, 1]} : vector<256x256xf32> to vector<8x256xf32>
    %add3A_140 = arith.addf %add3A_138, %slice3A_139 : vector<8x256xf32>
    %slice3A_141 = vector.extract_strided_slice %dot_general3A_89 {offsets = [136, 0], sizes = [8, 256], strides = [1, 1]} : vector<256x256xf32> to vector<8x256xf32>
    %add3A_142 = arith.addf %add3A_140, %slice3A_141 : vector<8x256xf32>
    %slice3A_143 = vector.extract_strided_slice %dot_general3A_89 {offsets = [144, 0], sizes = [8, 256], strides = [1, 1]} : vector<256x256xf32> to vector<8x256xf32>
    %add3A_144 = arith.addf %add3A_142, %slice3A_143 : vector<8x256xf32>
    %slice3A_145 = vector.extract_strided_slice %dot_general3A_89 {offsets = [152, 0], sizes = [8, 256], strides = [1, 1]} : vector<256x256xf32> to vector<8x256xf32>
    %add3A_146 = arith.addf %add3A_144, %slice3A_145 : vector<8x256xf32>
    %slice3A_147 = vector.extract_strided_slice %dot_general3A_89 {offsets = [160, 0], sizes = [8, 256], strides = [1, 1]} : vector<256x256xf32> to vector<8x256xf32>
    %add3A_148 = arith.addf %add3A_146, %slice3A_147 : vector<8x256xf32>
    %slice3A_149 = vector.extract_strided_slice %dot_general3A_89 {offsets = [168, 0], sizes = [8, 256], strides = [1, 1]} : vector<256x256xf32> to vector<8x256xf32>
    %add3A_150 = arith.addf %add3A_148, %slice3A_149 : vector<8x256xf32>
    %slice3A_151 = vector.extract_strided_slice %dot_general3A_89 {offsets = [176, 0], sizes = [8, 256], strides = [1, 1]} : vector<256x256xf32> to vector<8x256xf32>
    %add3A_152 = arith.addf %add3A_150, %slice3A_151 : vector<8x256xf32>
    %slice3A_153 = vector.extract_strided_slice %dot_general3A_89 {offsets = [184, 0], sizes = [8, 256], strides = [1, 1]} : vector<256x256xf32> to vector<8x256xf32>
    %add3A_154 = arith.addf %add3A_152, %slice3A_153 : vector<8x256xf32>
    %slice3A_155 = vector.extract_strided_slice %dot_general3A_89 {offsets = [192, 0], sizes = [8, 256], strides = [1, 1]} : vector<256x256xf32> to vector<8x256xf32>
    %add3A_156 = arith.addf %add3A_154, %slice3A_155 : vector<8x256xf32>
    %slice3A_157 = vector.extract_strided_slice %dot_general3A_89 {offsets = [200, 0], sizes = [8, 256], strides = [1, 1]} : vector<256x256xf32> to vector<8x256xf32>
    %add3A_158 = arith.addf %add3A_156, %slice3A_157 : vector<8x256xf32>
    %slice3A_159 = vector.extract_strided_slice %dot_general3A_89 {offsets = [208, 0], sizes = [8, 256], strides = [1, 1]} : vector<256x256xf32> to vector<8x256xf32>
    %add3A_160 = arith.addf %add3A_158, %slice3A_159 : vector<8x256xf32>
    %slice3A_161 = vector.extract_strided_slice %dot_general3A_89 {offsets = [216, 0], sizes = [8, 256], strides = [1, 1]} : vector<256x256xf32> to vector<8x256xf32>
    %add3A_162 = arith.addf %add3A_160, %slice3A_161 : vector<8x256xf32>
    %slice3A_163 = vector.extract_strided_slice %dot_general3A_89 {offsets = [224, 0], sizes = [8, 256], strides = [1, 1]} : vector<256x256xf32> to vector<8x256xf32>
    %add3A_164 = arith.addf %add3A_162, %slice3A_163 : vector<8x256xf32>
    %slice3A_165 = vector.extract_strided_slice %dot_general3A_89 {offsets = [232, 0], sizes = [8, 256], strides = [1, 1]} : vector<256x256xf32> to vector<8x256xf32>
    %add3A_166 = arith.addf %add3A_164, %slice3A_165 : vector<8x256xf32>
    %slice3A_167 = vector.extract_strided_slice %dot_general3A_89 {offsets = [240, 0], sizes = [8, 256], strides = [1, 1]} : vector<256x256xf32> to vector<8x256xf32>
    %add3A_168 = arith.addf %add3A_166, %slice3A_167 : vector<8x256xf32>
    %slice3A_169 = vector.extract_strided_slice %dot_general3A_89 {offsets = [248, 0], sizes = [8, 256], strides = [1, 1]} : vector<256x256xf32> to vector<8x256xf32>
    %add3A_170 = arith.addf %add3A_168, %slice3A_169 : vector<8x256xf32>
    %swap3A_171 = arith.constant 0 : index
    %swap3A_172 = arith.constant 0 : index
    %swap3A_173 = vector.load %arg9[%swap3A_171, %swap3A_172] : memref<8x256xf32, #tpu.memory_space<vmem>>, vector<8x256xf32>
    tpu.vector_store %arg9[%swap3A_171, %swap3A_172], %add3A_170 {strides = array<i32>} : memref<8x256xf32, #tpu.memory_space<vmem>>, vector<8x256xf32>,
    %mul3A_174 = arith.mulf %dot_general3A_89, %dot_general3A_89 : vector<256x256xf32>
    %reduce_sum3A_175 = arith.constant dense<0.000000e+00> : vector<256xf32>
    %reduce_sum3A_176 = vector.multi_reduction <add>, %mul3A_174, %reduce_sum3A_175 [1] : vector<256x256xf32> to vector<256xf32>
    %broadcast_in_dim3A_177 = vector.shape_cast %reduce_sum3A_176 : vector<256xf32> to vector<256x1xf32>
    %sqrt3A = math.sqrt %broadcast_in_dim3A_177 : vector<256x1xf32>
    %get3A_178 = arith.index_cast %mul3A_74 : i32 to index
    %get3A_179 = arith.constant 0 : index
    %get3A_180 = vector.load %arg13[%get3A_178, %get3A_179] : memref<2048x1xf32, #tpu.memory_space<vmem>>, vector<256x1xf32>
    %div3A = arith.divf %sqrt3A, %get3A_180 : vector<256x1xf32>
    %max3A = arith.constant 1.000000e+00 : f32
    %max3A_181 = vector.broadcast %max3A : f32 to vector<256x1xf32>
    %max3A_182 = arith.maximumf %div3A, %max3A_181 : vector<256x1xf32>
    %sub3A_183 = arith.constant 1.000000e+00 : f32
    %sub3A_184 = vector.broadcast %sub3A_183 : f32 to vector<256x1xf32>
    %sub3A_185 = arith.subf %max3A_182, %sub3A_184 : vector<256x1xf32>
    %integer_pow3A = arith.mulf %sub3A_185, %sub3A_185 : vector<256x1xf32>
    %le3A = arith.constant 1 : i32
    %le3A_186 = arith.cmpi sle, %arg0, %le3A : i32
    %get3A_187 = arith.index_cast %mul3A_74 : i32 to index
    %get3A_188 = arith.constant 0 : index
    %get3A_189 = vector.load %arg12[%get3A_187, %get3A_188] : memref<2048x1xf32, #tpu.memory_space<vmem>>, vector<256x1xf32>
    %jit3A_190 = arith.constant 0.000000e+00 : f32
    %broadcast_in_dim3A_191 = vector.broadcast %jit3A_190 : f32 to vector<256x1xf32>
    %select_n3A_192 = arith.select %le3A_186, %broadcast_in_dim3A_191, %get3A_189 : vector<256x1xf32>
    %eq3A_193 = arith.constant 0 : i32
    %eq3A_194 = arith.cmpi eq, %arg0, %eq3A_193 : i32
    %add3A_195 = arith.addf %select_n3A_192, %integer_pow3A : vector<256x1xf32>
    %jit3A_196 = arith.constant 0.000000e+00 : f32
    %broadcast_in_dim3A_197 = vector.broadcast %jit3A_196 : f32 to vector<256x1xf32>
    %select_n3A_198 = arith.select %eq3A_194, %broadcast_in_dim3A_197, %add3A_195 : vector<256x1xf32>
    %swap3A_199 = arith.index_cast %mul3A_74 : i32 to index
    %swap3A_200 = arith.constant 0 : index
    %swap3A_201 = vector.load %arg12[%swap3A_199, %swap3A_200] : memref<2048x1xf32, #tpu.memory_space<vmem>>, vector<256x1xf32>
    tpu.vector_store %arg12[%swap3A_199, %swap3A_200], %select_n3A_198 {strides = array<i32>} : memref<2048x1xf32, #tpu.memory_space<vmem>>, vector<256x1xf32>,
    %swap3A_202 = arith.index_cast %mul3A_74 : i32 to index
    %swap3A_203 = arith.constant 0 : index
    %swap3A_204 = vector.load %arg13[%swap3A_202, %swap3A_203] : memref<2048x1xf32, #tpu.memory_space<vmem>>, vector<256x1xf32>
    tpu.vector_store %arg13[%swap3A_202, %swap3A_203], %sqrt3A {strides = array<i32>} : memref<2048x1xf32, #tpu.memory_space<vmem>>, vector<256x1xf32>,
    %eq3A_205 = arith.constant 7 : i32
    %eq3A_206 = arith.cmpi eq, %arg0, %eq3A_205 : i32
    %convert_element_type3A_207 = arith.extui %eq3A_206 : i1 to i32
    %cond3A_208 = arith.constant 0 : i32
    %cond3A_209 = arith.cmpi ne, %convert_element_type3A_207, %cond3A_208 : i32
    scf.if %cond3A_209 {
      %get3A_210 = arith.index_cast %mul3A_74 : i32 to index
      %get3A_211 = arith.constant 0 : index
      %get3A_212 = vector.load %arg11[%get3A_210, %get3A_211] : memref<2048x1xf32, #tpu.memory_space<vmem>>, vector<256x1xf32>
      %get3A_213 = arith.index_cast %mul3A_74 : i32 to index
      %get3A_214 = arith.constant 0 : index
      %get3A_215 = vector.load %arg12[%get3A_213, %get3A_214] : memref<2048x1xf32, #tpu.memory_space<vmem>>, vector<256x1xf32>
      %mul3A_216 = arith.constant 0.142857149 : f32
      %mul3A_217 = vector.broadcast %mul3A_216 : f32 to vector<256x1xf32>
      %mul3A_218 = arith.mulf %get3A_215, %mul3A_217 : vector<256x1xf32>
      %add3A_219 = arith.addf %get3A_212, %mul3A_218 : vector<256x1xf32>
      %reduce_sum3A_220 = vector.shape_cast %add3A_219 : vector<256x1xf32> to vector<1x256x1xf32>
      %reduce_sum3A_221 = arith.constant dense<0.000000e+00> : vector<1xf32>
      %reduce_sum3A_222 = vector.multi_reduction <add>, %reduce_sum3A_220, %reduce_sum3A_221 [1, 2] : vector<1x256x1xf32> to vector<1xf32>
      %reduce_sum3A_223 = vector.shape_cast %reduce_sum3A_222 : vector<1xf32> to vector<1x1x1xf32>
      %reduce_sum3A_224 = vector.extract %reduce_sum3A_223[0, 0, 0] : f32 from vector<1x1x1xf32>
      %mul3A_225 = arith.constant 3.906250e-03 : f32
      %mul3A_226 = arith.mulf %reduce_sum3A_224, %mul3A_225 : f32
      %broadcast_in_dim3A_227 = vector.broadcast %mul3A_226 : f32 to vector<1x128xf32>
      %swap3A_228 = arith.index_cast %arg1 : i32 to index
      %swap3A_229 = arith.constant 0 : index
      %swap3A_230 = vector.load %arg7[%swap3A_228, %swap3A_229] : memref<8x128xf32, #tpu.memory_space<vmem>>, vector<1x128xf32>
      tpu.vector_store %arg7[%swap3A_228, %swap3A_229], %broadcast_in_dim3A_227 {strides = array<i32>} : memref<8x128xf32, #tpu.memory_space<vmem>>, vector<1x128xf32>,
    } else {
    }
    return
  }
  func.func @transform_0(%arg0: i32, %arg1: i32) -> (i32, i32) {
    %c0_i32 = arith.constant 0 : i32
    %c0_i32_0 = arith.constant 0 : i32
    return %arg1, %c0_i32 : i32, i32
  }
  func.func @transform_1(%arg0: i32, %arg1: i32) -> (i32, i32, i32) {
    %c0_i32 = arith.constant 0 : i32
    %c0_i32_0 = arith.constant 0 : i32
    %c0_i32_1 = arith.constant 0 : i32
    return %arg0, %c0_i32, %c0_i32_0 : i32, i32, i32
  }
  func.func @transform_2(%arg0: i32, %arg1: i32) -> (i32, i32) {
    %c0_i32 = arith.constant 0 : i32
    return %arg1, %arg0 : i32, i32
  }
  func.func @transform_3(%arg0: i32, %arg1: i32) -> (i32, i32, i32) {
    %c0_i32 = arith.constant 0 : i32
    %c0_i32_0 = arith.constant 0 : i32
    return %arg0, %c0_i32, %arg1 : i32, i32, i32
  }
  func.func @transform_4(%arg0: i32, %arg1: i32) -> (i32, i32) {
    %c0_i32 = arith.constant 0 : i32
    %c0_i32_0 = arith.constant 0 : i32
    return %arg1, %c0_i32 : i32, i32
  }
  func.func @transform_5(%arg0: i32, %arg1: i32) -> (i32, i32) {
    %c0_i32 = arith.constant 0 : i32
    %c0_i32_0 = arith.constant 0 : i32
    %c0_i32_1 = arith.constant 0 : i32
    return %c0_i32, %c0_i32_0 : i32, i32
  }
}

</mosaic_0001>

<sc_bundles>
// kernel: sparse-core-data-format-call.cloned.1.call-start
scs
called_computation_lowered:
.L_overlay_start_0:
0x0: {  	s2 =	sld [smem:$0x3FD9]  }
0x1: {  	s3 =	sld [smem:$0x3FFE];
	_ =	sdelay $0x1  }
0x2: {  	s1 =	srdreg.scid  }
0x3: {  	s0 =	sand.u32 $0x1, s1  }
0x4: {  	s15 =	sshll.u32 s0, $0xA;
	s2 =	sadd.s32 s3, s2  }
0x5: {  	s2 =	sadd.s32 s2, s15  }
0x6: {  	[smem:$0x3FC6] =	sst s2  }
0x7: {  	_ = 	snop  }
0x8: {  	s2 =	sld [smem:$0x3FD0];
	_ =	sdelay $0x2  }
0x9: {  	s16 =	simm.s32 $0xA;
	s4 =	simm.s32 $0x10  }
0xa: {  	[smem:s4], [sflag:s16] =	dma.local [hbm:s2], $0x1  }
0xb: {  	_ =	swait.eq [sflag:s16], $0x1  }
0xc: {  	[sflag:s16] =	ssyncset.done $0x0  }
0xd: {  	[sflag:s16] =	ssyncadd.s32 $0xFFFFFFFF  }
0xe: {  	s17 =	sld [smem:$0x13];
	(tm) =	ssettm $0x1  }
0xf: {  	s18 =	sld [smem:$0x3FFB];
	_ =	sdelay $0x3  }
0x10: {  	_ =	strace s18  }
0x11: {  	s3 =	sld [smem:$0x3FFC];
	_ =	sdelay $0x3  }
0x12: {  	_ =	strace s3  }
0x13: {  	s3 =	sld [smem:$0x3FFD];
	_ =	sdelay $0x3  }
0x14: {  	_ =	strace s3  }
0x15: {  	_ =	strace $0x8FFFFFFF  }
0x16: {  	s19 =	sld [smem:$0x3FDB];
	_ =	sdelay $0x1  }
0x17: {  	s20 =	simm.s32 $_scs_section_size  }
0x18: {  	s5 =	simm.s32 $_size__tile_overlayer_lowered;
	s6 =	simm.s32 $_tile_overlayer_lowered  }
0x19: {  	s23 =	simm.s32 $0x1BFF;
	s22 =	sshll.u32 s6, $0x1;
	s3 =	sadd.s32 s20, s19  }
0x1a: {  	s7 =	simm.s32 $0x0;
	s21 =	sshll.u32 s5, $0x1;
	s5 =	sadd.s32 s22, s3  }
0x1b: {  	[timem:s7], [sflag:s23] =	dma.local [hbm:s5], s21  }
0x1c: {  	_ =	swait.ge [sflag:s23], s21  }
0x1d: {  	s4 =	ssub.s32 $0x0, s21;
	[sflag:s23] =	ssyncset.done $0x0  }
0x1e: {  	[sflag:s23] =	ssyncadd.s32 s4;
	_ =	sdelay $0x1  }
0x1f: {  	s24 =	simm.s32 $0x1B8B  }
0x20: {  	_ =	swait.ge [sflag:s24], $0x1  }
0x21: {  	[sflag:s24] =	ssyncset.done $0x0  }
0x22: {  	s26 =	simm.s32 $0x1B8E;
	s25 =	sld [smem:$0x3FFE];
	[sflag:s24] =	ssyncadd.s32 $0xFFFFFFFF  }
0x23: {  	s27 =	simm.s32 $execute0_lowered;
	[smem:$0x3FD2] =	sst s26  }
0x24: {  	s5 =	sshll.u32 s27, $0x1;
	_ =	strace $0x80000046;
	[dreg:$0x1] =	wrdreg $0xFFFFFFFF  }
0x25: {  	s28 =	simm.s32 $_size_execute0_lowered;
	s3 =	sadd.s32 s3, s5;
	[dreg:$0x0] =	wrdreg $0x0  }
0x26: {  	s5 =	sshll.u32 s28, $0x1;
	[dreg:$0x2] =	wrdreg s3  }
0x27: {  	[dreg:$0x3] =	wrdreg s5  }
0x28: {  	[dreg:$0x4] =	wrdreg $0xC0  }
0x29: {  	_ =	task [dreg:s7], $0x5FFFF  }
0x2a: {  	[dreg:$0x1] =	wrdreg $0xFFFFFFFF  }
0x2b: {  	[dreg:$0x0] =	wrdreg $0x60  }
0x2c: {  	[dreg:$0x2] =	wrdreg s25  }
0x2d: {  	[dreg:$0x3] =	wrdreg s17  }
0x2e: {  	[dreg:$0x4] =	wrdreg $0x9  }
0x2f: {  	_ =	task.clear_ibuf [dreg:s7], $0x5FFFF;
	_ =	strace $0x90000046  }
0x30: {  	s29 =	simm.s32 $0x9;
	_ =	strace $0x80000048  }
0x31: {  	_ =	swait.ge [sflag:s29], $0x1  }
0x32: {  	[sflag:s29] =	ssyncadd.s32 $0xFFFFFFFF  }
0x33: {  	_ =	strace $0x90000048  }
0x34: {  	_ =	sfence  }
0x35: {  	s30 =	sld [smem:$0x0];
	_ =	sdelay $0x2  }
0x36: {  	s31 =	sshll.u32 s1, $0xD;
	s1 =	sshrl.u32 s1, $0x2  }
0x37: {  	s3 =	sand.u32 $0x4000, s31;
	s1 =	sadd.s32 s1, s30  }
0x38: {  	s0 =	sor.u32 s3, s0;
	s1 =	sshll.u32 s1, $0x11  }
0x39: {  	s0 =	sor.u32 s1, s0  }
0x3a: {  	s0 =	sadd.s32 $0x8F2B, s0  }
0x3b: {  	[sflag:s0] =	ssyncadd.remote.s32 $0x1  }
0x3c: {  	_ =	sfence.sel $0xFFFF  }
0x3d: {  	[dreg:$0x0] =	wrdreg $0xFFFFFFFF;
	(pc) =	sbr.abs _section_cstart, $3  }
0x3e: {  	[dreg:$0x1] =	wrdreg $0xFFFFFFFF  }
0x3f: {  	_ =	task.clear_ibuf [dreg:s7], $0x2FFFF;
	_ =	strace $0x9FFFFFFF  }
0x40: {  	(tm) =	ssettm $0x7FFFFFFF  }
0x41: {  	_ =	shalt  }
tec
execute0_lowered:
.L_overlay_start_1:
0x0: {  	(tag) =	ssettag $0x1  }
0x1: {  	s1 =	rddreg [dreg:$0x0]  }
0x2: {  	s2 =	rddreg [dreg:$0x1]  }
0x3: {  	s0 =	rddreg [dreg:$0x2]  }
0x4: {  	_ =	strace $0x80000047;
	s4 =	srdreg.scid;
	s6 =	simm.s32 $0x2  }
0x5: {  	s12 =	simm.s32 $0x0;
	p0 =	por $0x0, $0x0;
	s13 =	simm.s32 $0x0  }
0x6: {  	s15 =	simm.s32 $0x0;
	s14 =	simm.s32 $0x0;
	s8 =	simm.s32 $0x0  }
.Ltmp0:
0x7: {  	s9 =	simm.s32 $0x0;
	s10 =	simm.s32 $0x0;
	(pc) =	sbr.rel .LBB1_1-.Ltmp0, $4  }
0x8: {  	s7 =	simm.s32 $0x0;
	s3 =	sadd.s32 $0x600, s1;
	s5 =	sshll.u32 s4, $0x4  }
0x9: {  	s1 =	stileid.u32;
	s4 =	simm.s32 $0x1;
	s5 =	sand.u32 $0x10, s5  }
0xa: {  	s21 =	simm.s32 $0x0;
	[sflag:s4] =	ssyncpa.u1 $0x0;
	s5 =	sor.u32 s1, s5  }
0xb: {  	[sflag:s6] =	ssyncpa.u1 $0x0;
	s6 =	simm.s32 $0x2000;
	s11 =	smov.u32 s5  }
.LBB1_7:
0xc: {  	s16 =	sadd.s32 $0x100, s8  }
0xd: {  	s12 =	sadd.s32 $0x8, s9;
	s17 =	smov.u32 s9;
	p2 =	sgt.s32 s16, $0x3FF  }
0xe: {  	s17 =	smov.u32 @p2 s12  }
0xf: {  	s18 =	smov.u32 s10;
	s12 =	sadd.s32 $0x8, s10;
	p3 =	sgt.s32 s17, $0x7  }
0x10: {  	s18 =	smov.u32 @p3 s12  }
0x11: {  	s19 =	smov.u32 s11;
	s12 =	sadd.s32 $0x20, s11;
	p4 =	sgt.s32 s18, $0x7  }
0x12: {  	p1 =	slt.u32 s7, $0x2;
	s19 =	smov.u32 @p4 s12  }
0x13: {  	s7 =	sadd.s32 $0x1, s7;
	s16 =	simm.s32 @p2 $0x0;
	p2 =	sgt.s32 s19, $0xFF  }
0x14: {  	s20 =	simm.s32 @!p1 $0x2;
	s19 =	smov.u32 @p2 s5;
	p2 =	sne.s32 s7, $0x22  }
.Ltmp1:
0x15: {  	s13 =	smov.u32 s9;
	_ =	swait.ge @!p1 [sflag:s20], $0x4000;
	(pc) =	sbr.rel @!p2 .LBB1_8-.Ltmp1, $4  }
0x16: {  	s15 =	smov.u32 s10;
	s14 =	smov.u32 s11;
	[sflag:s20] =	ssyncset.done @!p1 $0x0  }
0x17: {  	p0 =	por !p0, !p0;
	s17 =	simm.s32 @p3 $0x0;
	[sflag:s20] =	ssyncadd.s32 @!p1 $0xFFFFC000  }
0x18: {  	s9 =	smov.u32 s17;
	s18 =	simm.s32 @p4 $0x0;
	s12 =	smov.u32 s8  }
0x19: {  	s8 =	smov.u32 s16;
	s10 =	smov.u32 s18;
	s11 =	smov.u32 s19  }
.LBB1_1:
0x1a: {  	p1 =	sgt.u32 s7, $0x1F  }
0x1b: {  	s16 =	sxor.u32 @!p1 $0xFFFFFFFF, s7  }
0x1c: {  	s17 =	sshll.u32 @!p1 s9, $0x7;
	s18 =	sand.u32 @!p1 $0x78, s8;
	s19 =	sshll.u32 @!p1 s11, $0xD  }
0x1d: {  	s20 =	sand.u32 @!p1 $0x380, s8;
	s16 =	sshll.u32 @!p1 s16, $0xE;
	s17 =	sand.u32 @!p1 $0x380, s17  }
0x1e: {  	s19 =	sadd.s32 @!p1 s3, s19;
	s17 =	sor.u32 @!p1 s18, s17;
	s18 =	sshll.u32 @!p1 s10, $0xA  }
0x1f: {  	s16 =	sand.u32 @!p1 $0x4000, s16;
	s18 =	sadd.s32 @!p1 s18, s19;
	s19 =	sand.u32 @!p1 $0x7, s8  }
0x20: {  	s17 =	sshrl.u32 @!p1 s17, $0x3;
	s18 =	sadd.s32 @!p1 s20, s18;
	s19 =	sshll.u32 @!p1 s19, $0x12  }
0x21: {  	s17 =	sadd.s32 @!p1 s17, s18;
	s18 =	sor.u32 @!p1 $0x800, s19;
	s19 =	simm.s32 @!p1 $0x2000  }
0x22: {  	[tilespmem:s16], [sflag:$0x1] =	stream.strided.gather @!p1 [hbm4b:s17+s18], $0x4000, s19, s18, $0x38;
	[tilespmem:$0x10000] =	vst v63  }
0x23: {  	p1 =	seq.s32 s7, $0x0  }
0x24: {  	p2 =	seq.s32 @!p1 s7, $0x21  }
0x25: {  	p1 =	por p1, p2  }
.Ltmp2:
0x26: {  	_ = 	snop;
	(pc) =	sbr.rel @p1 .LBB1_7-.Ltmp2, $1  }
0x27: {  	_ =	sdelay $0x3  }
0x28: {  	s16 =	simm.s32 $0x1  }
0x29: {  	_ =	swait.ge [sflag:s4], $0x4000;
	s31 =	sshll.u32 s7, $0xE;
	p1 =	por $0x0, $0x0  }
0x2a: {  	s22 =	simm.s32 $0x0;
	s23 =	simm.s32 $0x0;
	s16 =	simm.s32 @!p0 $0x0  }
0x2b: {  	[sflag:s4] =	ssyncset.done $0x0;
	s19 =	sand.u32 $0x4000, s31;
	s16 =	sshll.u32 s16, $0x10  }
0x2c: {  	[sflag:s4] =	ssyncadd.s32 $0xFFFFC000;
	s20 =	sshrl.u32 s16, $0x2;
	s16 =	sor.u32 $0x8000, s19  }
0x2d: {  	s17 =	sor.u32 $0x40, s20;
	s18 =	sor.u32 $0x8410, s20;
	s20 =	sadd.s32 $0x8400, s20  }
.LBB1_3:
0x2e: {  	v1 =	vld [tilespmem:s17+$0xFFFFFFD0]  }
0x2f: {  	v2 =	vld [tilespmem:s17+$0x430]  }
0x30: {  	s24 =	sshll.u32 s23, $0xB;
	v4 =	vld [tilespmem:s17+$0xFFFFFFE0]  }
0x31: {  	v7 =	vld [tilespmem:s17+$0xFFFFFFF0];
	v0 =	vmov s24  }
0x32: {  	v8 =	vld [tilespmem:s17+$0x0]  }
0x33: {  	s30 =	sand.u32 $0x300, s21;
	v9 =	vld [tilespmem:s17+$0x10]  }
0x34: {  	s25 =	sand.u32 $0x80, s21;
	v10 =	vld [tilespmem:s17+$0x20];
	s24 =	sadd.s32 s30, s19  }
0x35: {  	v11 =	vld [tilespmem:s17+$0x30];
	s24 =	sadd.s32 s25, s24;
	s25 =	simm.s32 $0x1;
	[tilespmem:s18+$0x60] =	vst v2  }
0x36: {  	s31 =	sshll.u32 s22, $0x2;
	s25 =	simm.s32 @!p1 $0x0;
	[tilespmem:s18+$0xFFFFFC00] =	vst v1;
	v3 =	vld.idx.msk [tilespmem:v0+s24+$0x400 ss:$0x1], $0xffff  }
0x37: {  	v6 =	vld [tilespmem:s17+$0x3D0];
	s25 =	sshll.u32 s25, $0x9;
	[tilespmem:s18+$0xFFFFFC10] =	vst v4;
	s24 =	sand.u32 $0xFFFFFC00, s31  }
0x38: {  	v5 =	vld [tilespmem:s17+$0x3E0];
	[tilespmem:s18+$0xFFFFFC20] =	vst v7;
	s24 =	sor.u32 s25, s24  }
0x39: {  	[tilespmem:s18+$0xFFFFFC30] =	vst v8;
	v4 =	vld [tilespmem:s17+$0x400];
	s24 =	sshrl.u32 s24, $0x2  }
0x3a: {  	[tilespmem:s18+$0xFFFFFC40] =	vst v9;
	v1 =	vld [tilespmem:s17+$0x410];
	s24 =	sadd.s32 s24, s20  }
0x3b: {  	[tilespmem:s24+$0x0] =	vst v3;
	v3 =	vld [tilespmem:s17+$0x3F0]  }
0x3c: {  	s28 =	simm.s32 $0x80;
	s27 =	simm.s32 $0x100;
	[tilespmem:s18+$0xFFFFFC50] =	vst v10;
	v2 =	vld [tilespmem:s17+$0x420]  }
0x3d: {  	s26 =	smov.u32 s18;
	s29 =	sand.u32 $0x300, s28;
	v7 =	vld [tilespmem:s17+$0xFFFFFFC0];
	[tilespmem:s18+$0xFFFFFC60] =	vst v11;
	s25 =	sadd.s32 $0x80, s17  }
.LBB1_4:
0x3e: {  	p2 =	sne.s32 s27, $0x380;
	v8 =	vld [tilespmem:s25+$0xFFFFFFD0];
	s28 =	sand.u32 $0x80, s28;
	s29 =	sadd.s32 s29, s19;
	[tilespmem:s26+$0x0] =	vst v6  }
0x3f: {  	s29 =	sadd.s32 s28, s29;
	v6 =	vld [tilespmem:s25+$0x430];
	[tilespmem:s26+$0x10] =	vst v5;
	s28 =	smov.u32 s27  }
0x40: {  	v5 =	vld.idx.msk [tilespmem:v0+s29+$0x400 ss:$0x1], $0xffff;
	[tilespmem:s26+$0x20] =	vst v3  }
0x41: {  	v3 =	vld [tilespmem:s25+$0xFFFFFFE0];
	[tilespmem:s26+$0x30] =	vst v4  }
0x42: {  	v4 =	vld [tilespmem:s25+$0xFFFFFFF0];
	[tilespmem:s26+$0xFFFFFBF0] =	vst v7  }
0x43: {  	v7 =	vld [tilespmem:s25+$0x0];
	[tilespmem:s26+$0x40] =	vst v1  }
0x44: {  	v1 =	vld [tilespmem:s25+$0x10];
	[tilespmem:s26+$0x50] =	vst v2;
	s26 =	sadd.s32 $0x800, s26  }
0x45: {  	s24 =	sadd.s32 $0x800, s24;
	v2 =	vld [tilespmem:s25+$0x20];
	[tilespmem:s26+$0x60] =	vst v6  }
0x46: {  	v9 =	vld [tilespmem:s25+$0x30];
	[tilespmem:s24+$0x0] =	vst v5  }
0x47: {  	[tilespmem:s26+$0xFFFFFC00] =	vst v8;
	v6 =	vld [tilespmem:s25+$0x3D0]  }
0x48: {  	[tilespmem:s26+$0xFFFFFC10] =	vst v3;
	v5 =	vld [tilespmem:s25+$0x3E0]  }
.Ltmp3:
0x49: {  	[tilespmem:s26+$0xFFFFFC20] =	vst v4;
	v3 =	vld [tilespmem:s25+$0x3F0];
	(pc) =	sbr.rel @p2 .LBB1_4-.Ltmp3, $4  }
0x4a: {  	[tilespmem:s26+$0xFFFFFC30] =	vst v7;
	v4 =	vld [tilespmem:s25+$0x400]  }
0x4b: {  	[tilespmem:s26+$0xFFFFFC40] =	vst v1;
	v1 =	vld [tilespmem:s25+$0x410]  }
0x4c: {  	[tilespmem:s26+$0xFFFFFC50] =	vst v2;
	v2 =	vld [tilespmem:s25+$0x420]  }
0x4d: {  	s27 =	sadd.s32 $0x80, s27;
	s29 =	sand.u32 $0x300, s28;
	v7 =	vld [tilespmem:s25+$0xFFFFFFC0];
	[tilespmem:s26+$0xFFFFFC60] =	vst v9;
	s25 =	sadd.s32 $0x80, s25  }
0x4e: {  	[tilespmem:s26+$0x0] =	vst v6  }
0x4f: {  	[tilespmem:s26+$0x10] =	vst v5  }
0x50: {  	v49 =	vld [tilespmem:s25+$0x430];
	[tilespmem:s26+$0x20] =	vst v3  }
0x51: {  	v50 =	vld [tilespmem:s25+$0xFFFFFFD0];
	[tilespmem:s26+$0x30] =	vst v4  }
0x52: {  	v51 =	vld [tilespmem:s25+$0xFFFFFFE0];
	[tilespmem:s26+$0x40] =	vst v1  }
0x53: {  	v52 =	vld [tilespmem:s25+$0xFFFFFFF0];
	[tilespmem:s26+$0x50] =	vst v2  }
0x54: {  	s31 =	sadd.s32 $0x800, s26;
	v53 =	vld [tilespmem:s25+$0x0];
	[tilespmem:s26+$0xFFFFFBF0] =	vst v7  }
0x55: {  	v54 =	vld [tilespmem:s25+$0x10];
	[tilespmem:s31+$0x60] =	vst v49  }
0x56: {  	v55 =	vld [tilespmem:s25+$0x20];
	[tilespmem:s31+$0xFFFFFC00] =	vst v50  }
0x57: {  	v56 =	vld [tilespmem:s25+$0x30];
	[tilespmem:s31+$0xFFFFFC10] =	vst v51  }
0x58: {  	v57 =	vld [tilespmem:s25+$0x3D0];
	[tilespmem:s31+$0xFFFFFC20] =	vst v52  }
0x59: {  	v58 =	vld [tilespmem:s25+$0x3E0];
	[tilespmem:s31+$0xFFFFFC30] =	vst v53  }
0x5a: {  	v59 =	vld [tilespmem:s25+$0x3F0];
	[tilespmem:s31+$0xFFFFFC40] =	vst v54  }
0x5b: {  	v60 =	vld [tilespmem:s25+$0x400];
	[tilespmem:s31+$0xFFFFFC50] =	vst v55  }
0x5c: {  	v61 =	vld [tilespmem:s25+$0xFFFFFFC0];
	[tilespmem:s31+$0xFFFFFC60] =	vst v56  }
0x5d: {  	s27 =	sand.u32 $0x80, s28;
	s30 =	sadd.s32 s29, s19;
	v62 =	vld [tilespmem:s25+$0x410];
	[tilespmem:s31+$0x0] =	vst v57  }
0x5e: {  	v63 =	vld [tilespmem:s25+$0x420];
	s23 =	sadd.s32 $0x1, s23;
	s27 =	sadd.s32 s27, s30;
	[tilespmem:s31+$0x10] =	vst v58  }
0x5f: {  	p2 =	sne.s32 s23, $0x8;
	v0 =	vld.idx.msk [tilespmem:v0+s27+$0x400 ss:$0x1], $0xffff;
	[tilespmem:s31+$0x20] =	vst v59  }
.Ltmp4:
0x60: {  	[tilespmem:s31+$0x30] =	vst v60;
	(pc) =	sbr.rel @p2 .LBB1_3-.Ltmp4, $4  }
0x61: {  	[tilespmem:s31+$0xFFFFFBF0] =	vst v61  }
0x62: {  	[tilespmem:s31+$0x40] =	vst v62  }
0x63: {  	s24 =	sadd.s32 $0x800, s24;
	s17 =	sadd.s32 $0x800, s17;
	[tilespmem:s31+$0x50] =	vst v63  }
0x64: {  	s22 =	sadd.s32 $0x80, s22;
	p1 =	por !p1, !p1;
	s18 =	sadd.s32 $0x80, s18;
	[tilespmem:s24+$0x0] =	vst v0  }
0x65: {  	s15 =	sshll.u32 s15, $0x7;
	s17 =	sand.u32 $0x78, s12  }
0x66: {  	s14 =	sshll.u32 s14, $0xD;
	s13 =	sshll.u32 s13, $0xA;
	s29 =	sand.u32 $0x380, s12  }
.Ltmp5:
0x67: {  	s15 =	sand.u32 $0x380, s15;
	s14 =	sadd.s32 s2, s14;
	(pc) =	sbr.rel .LBB1_7-.Ltmp5, $4  }
0x68: {  	s30 =	sand.u32 $0x7, s12;
	s15 =	sor.u32 s15, s17;
	s13 =	sadd.s32 s13, s14  }
0x69: {  	s12 =	sshll.u32 s30, $0x12;
	s31 =	sshrl.u32 s15, $0x3;
	s13 =	sadd.s32 s29, s13  }
0x6a: {  	s12 =	sor.u32 $0x800, s12;
	s13 =	sadd.s32 s31, s13  }
0x6b: {  	[hbm4b:s13+s12] =	stream.strided.scatter [tilespmem:s16], [sflag:$0x2], $0x4000, s6, s12, $0x38;
	[tilespmem:$0x10000] =	vst v63  }
.LBB1_8:
0x6c: {  	_ =	sfence.sel $0x180000  }
0x6d: {  	s2 =	simm.s32 $0x1;
	[bflag:$0x0] =	sbarrier.arrive $0xFFFF  }
0x6e: {  	s31 =	simm.s32 $0x2;
	[sflag:s2] =	ssyncpa.u1 $0x1  }
0x6f: {  	[sflag:s31] =	ssyncpa.u1 $0x1  }
0x70: {  	p0 =	sne.s32 s1, $0x0;
	_ =	strace $0x90000047  }
0x71: {  	s0 =	sadd.s32 @!p0 $0x100000, s0;
	[bflag:$0x2] =	sbarrier.arrive $0xFFFF  }
0x72: {  	[sflag:s0] =	ssyncadd.tile.s32 @!p0 $0x1;
	_ =	shalt  }
.Lfunc_end1:
_tile_overlayer_lowered:
.L_overlay_start_2:
0x73: {  	(tag) =	ssettag $0x2  }
0x74: {  	s0 =	rddreg [dreg:$0x0];
	s2 =	stileid.u32  }
0x75: {  	s1 =	rddreg [dreg:$0x1];
	p0 =	sne.s32 s2, $0x0  }
0x76: {  	s3 =	rddreg [dreg:$0x2];
	[bflag:$0x3] =	sbarrier.arrive $0xFFFF;
	s2 =	simm.s32 @!p0 $0x1C01  }
0x77: {  	[timem:s3], [sflag:s2] =	dma.local @!p0 [hbm:s0], s1  }
0x78: {  	s0 =	simm.s32 @!p0 $0x1  }
0x79: {  	_ =	swait.ge @!p0 [sflag:s0], s1  }
0x7a: {  	s1 =	ssub.s32 @!p0 $0x0, s1;
	[sflag:s0] =	ssyncset.done @!p0 $0x0  }
0x7b: {  	[sflag:s0] =	ssyncadd.s32 @!p0 s1  }
0x7c: {  	[bflag:$0x3] =	sbarrier.arrive $0xFFFF  }
0x7d: {  	_ =	shalt  }

</sc_bundles>
